<compile_context>
chip_gen: v7x
topology: tpu7x:2x2x1
jax: 0.10.2.dev20260603
libtpu: 0.0.44.dev20260713+nightly
codegen_flags: <defaults>
</compile_context>

<pallas_src>
import functools

import jax
import jax.numpy as jnp
from jax import lax
from jax.experimental import pallas as pl
from jax.experimental.pallas import tpu as pltpu
from jax.experimental.pallas import tpu_sc as plsc

_NC = 2
_NS = 16
_NW = _NC * _NS

_N_T = 2048
_NBUF = 4


def _make_sc_gather(D, B):
    b_per_w = B // _NW
    mesh = plsc.VectorSubcoreMesh(core_axis_name="c", subcore_axis_name="s")

    @functools.partial(
        pl.kernel,
        mesh=mesh,
        out_type=jax.ShapeDtypeStruct((B, D), jnp.float32),
        scratch_types=[
            pltpu.VMEM((b_per_w,), jnp.int32),
            pltpu.VMEM((b_per_w, D), jnp.float32),
            pltpu.SemaphoreType.DMA,
        ],
        compiler_params=pltpu.CompilerParams(use_tc_tiling_on_sc=False),
    )
    def sc_gather(table_hbm, idx_hbm, out_hbm, idx_v, rows_v, sem):
        wid = lax.axis_index("s") * _NC + lax.axis_index("c")
        base = wid * b_per_w
        pltpu.sync_copy(idx_hbm.at[pl.ds(base, b_per_w)], idx_v)
        pltpu.async_copy(table_hbm.at[idx_v], rows_v, sem).wait()
        pltpu.sync_copy(rows_v, out_hbm.at[pl.ds(base, b_per_w)])

    return sc_gather


def _make_mm_body(n_steps, edge, B, D, V):
    def _mm_body(x_hbm, w_hbm, b_hbm, o_hbm, acc, acc_edge, x_v, w_v, w_ev,
                 b_v, sems, sem_edge, sem_x, sems_w, sem_b):
        i = pl.program_id(0)
        slot = lax.rem(i, _NBUF)
        wslot = lax.rem(i, 2)

        @pl.when(i == 0)
        def _():
            pltpu.make_async_copy(x_hbm, x_v, sem_x).start()
            pltpu.make_async_copy(b_hbm, b_v, sem_b).start()
            pltpu.make_async_copy(
                w_hbm.at[:, pl.ds(0, _N_T)], w_v.at[0], sems_w.at[0]
            ).start(priority=1)
            pltpu.make_async_copy(x_hbm, x_v, sem_x).wait()
            pltpu.make_async_copy(b_hbm, b_v, sem_b).wait()

        @pl.when(i < n_steps - 2)
        def _():
            pltpu.make_async_copy(
                w_hbm.at[:, pl.ds((i + 1) * _N_T, _N_T)],
                w_v.at[lax.rem(i + 1, 2)],
                sems_w.at[lax.rem(i + 1, 2)],
            ).start(priority=1)

        @pl.when(i == n_steps - 2)
        def _():
            pltpu.make_async_copy(
                w_hbm.at[:, pl.ds((n_steps - 1) * _N_T, edge)],
                w_ev,
                sems_w.at[lax.rem(n_steps - 1, 2)],
            ).start(priority=1)

        @pl.when(i < n_steps - 1)
        def _():
            pltpu.make_async_copy(
                w_hbm.at[:, pl.ds(i * _N_T, _N_T)], w_v.at[wslot],
                sems_w.at[wslot],
            ).wait()

        @pl.when(i == n_steps - 1)
        def _():
            pltpu.make_async_copy(
                w_hbm.at[:, pl.ds((n_steps - 1) * _N_T, edge)], w_ev,
                sems_w.at[lax.rem(n_steps - 1, 2)],
            ).wait()

        off = jnp.minimum(i, n_steps - 2) * _N_T
        res = lax.dot_general(
            x_v[...].astype(jnp.bfloat16), w_v[wslot].astype(jnp.bfloat16),
            dimension_numbers=(((1,), (0,)), ((), ())),
            preferred_element_type=jnp.float32,
        ) + b_v[:, pl.ds(off, _N_T)]

        @pl.when(i >= _NBUF)
        def _():
            pltpu.make_async_copy(
                acc.at[slot],
                o_hbm.at[:, pl.ds((i - _NBUF) * _N_T, _N_T)],
                sems.at[slot],
            ).wait()

        @pl.when(i < n_steps - 1)
        def _():
            acc[slot] = res

        @pl.when(jnp.logical_and(lax.rem(i, 2) == 0, i < n_steps - 1))
        def _():
            pltpu.make_async_copy(
                acc.at[slot],
                o_hbm.at[:, pl.ds(i * _N_T, _N_T)],
                sems.at[slot],
            ).start(priority=0)

        @pl.when(jnp.logical_and(lax.rem(i, 2) == 1, i < n_steps - 1))
        def _():
            pltpu.make_async_copy(
                acc.at[slot],
                o_hbm.at[:, pl.ds(i * _N_T, _N_T)],
                sems.at[slot],
            ).start(priority=1)

        @pl.when(i == n_steps - 1)
        def _():
            acc_edge[...] = lax.dot_general(
                x_v[...].astype(jnp.bfloat16), w_ev[...].astype(jnp.bfloat16),
                dimension_numbers=(((1,), (0,)), ((), ())),
                preferred_element_type=jnp.float32,
            ) + b_v[:, (n_steps - 1) * _N_T:]
            pltpu.make_async_copy(
                acc_edge,
                o_hbm.at[:, pl.ds((n_steps - 1) * _N_T, edge)],
                sem_edge,
            ).start(priority=1)
            for j in range(n_steps - _NBUF, n_steps - 1):
                pltpu.make_async_copy(
                    acc.at[j % _NBUF],
                    o_hbm.at[:, pl.ds(j * _N_T, _N_T)],
                    sems.at[j % _NBUF],
                ).wait()
            pltpu.make_async_copy(
                acc_edge,
                o_hbm.at[:, pl.ds((n_steps - 1) * _N_T, edge)],
                sem_edge,
            ).wait()

    return _mm_body


def kernel(input_ids, emb_table, fc_w, fc_b):
    V, D = emb_table.shape
    B = input_ids.shape[0]

    x = _make_sc_gather(D, B)(emb_table, input_ids)

    fc_wt = fc_w.T

    n_steps = pl.cdiv(V, _N_T)
    edge = V - (n_steps - 1) * _N_T
    fc_b2 = fc_b.reshape(1, V)
    logits = pl.pallas_call(
        _make_mm_body(n_steps, edge, B, D, V),
        grid=(n_steps,),
        in_specs=[
            pl.BlockSpec(memory_space=pl.ANY),
            pl.BlockSpec(memory_space=pl.ANY),
            pl.BlockSpec(memory_space=pl.ANY),
        ],
        out_specs=pl.BlockSpec(memory_space=pl.ANY),
        out_shape=jax.ShapeDtypeStruct((B, V), jnp.float32),
        scratch_shapes=[
            pltpu.VMEM((_NBUF, B, _N_T), jnp.float32),
            pltpu.VMEM((B, edge), jnp.float32),
            pltpu.VMEM((B, D), jnp.float32),
            pltpu.VMEM((2, D, _N_T), jnp.float32),
            pltpu.VMEM((D, edge), jnp.float32),
            pltpu.VMEM((1, V), jnp.float32),
            pltpu.SemaphoreType.DMA((_NBUF,)),
            pltpu.SemaphoreType.DMA,
            pltpu.SemaphoreType.DMA,
            pltpu.SemaphoreType.DMA((2,)),
            pltpu.SemaphoreType.DMA,
        ],
        compiler_params=pltpu.CompilerParams(
            dimension_semantics=("arbitrary",),
            vmem_limit_bytes=60 * 1024 * 1024,
        ),
    )(x, fc_wt, fc_b2)
    return logits

# --- scband reference (transcript-rebuilt; emitter-appended) ---
"""Pipeline reference for scband-simple-test-model-28638841929860 (READ-ONLY COPY).

The authoritative reference and input builder live on the scoring server;
editing this copy changes nothing except your own understanding.
"""

import jax, jax.numpy as jnp
import numpy as np

VOCAB = 100000
HID = 64
BATCH = 1024

def setup_inputs(seed: int = 0) -> dict:
    key = jax.random.key(seed)
    k1, k2, k3 = jax.random.split(key, 3)
    input_ids = jax.random.randint(k1, (BATCH,), 0, VOCAB, dtype=jnp.int32)
    emb_table = jax.random.normal(k2, (VOCAB, HID), dtype=jnp.float32) * 0.02
    fc_w = jax.random.normal(k3, (VOCAB, HID), dtype=jnp.float32) * 0.02  # torch Linear weight [out, in]
    fc_b = jnp.zeros((VOCAB,), dtype=jnp.float32)
    return {"input_ids": input_ids, "emb_table": emb_table, "fc_w": fc_w, "fc_b": fc_b}

def reference(input_ids, emb_table, fc_w, fc_b):
    # x = self.embeddings(input_ids)
    x = jnp.take(emb_table, input_ids, axis=0)  # [B, HID]
    # logits = self.fc(x)
    logits = x @ fc_w.T + fc_b  # [B, VOCAB]
    return logits

if __name__ == "__main__":
    import jax
    _d = setup_inputs()
    print(jax.jit(kernel)(*tuple(_d.values())))

</pallas_src>

<mosaic_0001>
#map = affine_map<(d0, d1) -> (0, 0)>
#map1 = affine_map<(d0, d1) -> (0)>
module attributes {stable_mosaic.version = 14 : i64} {
  func.func @sc_gather(%arg0: i32, %arg1: i32, %arg2: memref<100000x64xf32, #tpu.memory_space<hbm>>, %arg3: memref<1024xi32, #tpu.memory_space<hbm>>, %arg4: memref<1024x64xf32, #tpu.memory_space<hbm>>, %arg5: memref<32xi32, #tpu.memory_space<vmem>>, %arg6: memref<32x64xf32, #tpu.memory_space<vmem>>, %arg7: memref<!tpu.dma_semaphore, #tpu.memory_space<semaphore_mem>>) attributes {dimension_semantics = [#tpu.dimension_semantics<core_parallel>, #tpu.dimension_semantics<subcore_parallel>], iteration_bounds = array<i64: 2, 16>, scalar_prefetch = 0 : i64, scratch_operands = 3 : i64, tpu.core_type = #tpu.core_type<sc_vector_subcore>, window_params = [{transform_indices = #map}, {transform_indices = #map1}, {transform_indices = #map}]} {
    %mul3A = arith.constant 2 : i32
    %mul3A_0 = arith.muli %arg1, %mul3A : i32
    %add3A = arith.addi %mul3A_0, %arg0 : i32
    %mul3A_1 = arith.constant 32 : i32
    %mul3A_2 = arith.muli %add3A, %mul3A_1 : i32
    "tpu.region"() ({
      %run_scoped3A = tpu.sem_alloc : memref<!tpu.dma_semaphore, #tpu.memory_space<semaphore_mem>>
      %dma_start3A_7 = tpu.memref_slice %arg3[%mul3A_2] : memref<1024xi32, #tpu.memory_space<hbm>> -> memref<32xi32, #tpu.memory_space<hbm>>
      %dma_start3A_8 = tpu.memref_slice %arg3[%mul3A_2] : memref<1024xi32, #tpu.memory_space<hbm>> -> memref<32xi32, #tpu.memory_space<hbm>>
      tpu.enqueue_dma source(%dma_start3A_8 : memref<32xi32, #tpu.memory_space<hbm>>) target(%arg5 : memref<32xi32, #tpu.memory_space<vmem>>) target_semaphore(%run_scoped3A : memref<!tpu.dma_semaphore, #tpu.memory_space<semaphore_mem>>)
      %dma_wait3A_9 = tpu.memref_slice %arg3[%mul3A_2] : memref<1024xi32, #tpu.memory_space<hbm>> -> memref<32xi32, #tpu.memory_space<hbm>>
      %dma_wait3A_10 = tpu.memref_slice %arg3[%mul3A_2] : memref<1024xi32, #tpu.memory_space<hbm>> -> memref<32xi32, #tpu.memory_space<hbm>>
      tpu.wait_dma2 semaphore(%run_scoped3A : memref<!tpu.dma_semaphore, #tpu.memory_space<semaphore_mem>>) src(%dma_wait3A_10 : memref<32xi32, #tpu.memory_space<hbm>>) dst(%arg5 : memref<32xi32, #tpu.memory_space<vmem>>)
      tpu.yield
    }) : () -> ()
    %dma_start3A = arith.constant 0 : i32
    %dma_start3A_3 = arith.constant 0 : i32
    %dma_start3A_4 = tpu.memref_slice %arg2[%dma_start3A, %dma_start3A_3] : memref<100000x64xf32, #tpu.memory_space<hbm>> -> memref<100000x64xf32, #tpu.memory_space<hbm>>
    tpu.enqueue_indirect_dma source(%dma_start3A_4 : memref<100000x64xf32, #tpu.memory_space<hbm>>) target(%arg6 : memref<32x64xf32, #tpu.memory_space<vmem>>) offsets(%arg5 : memref<32xi32, #tpu.memory_space<vmem>>) semaphore(%arg7 : memref<!tpu.dma_semaphore, #tpu.memory_space<semaphore_mem>>)
    %dma_wait3A = arith.constant 0 : i32
    %dma_wait3A_5 = arith.constant 0 : i32
    %dma_wait3A_6 = tpu.memref_slice %arg2[%dma_wait3A, %dma_wait3A_5] : memref<100000x64xf32, #tpu.memory_space<hbm>> -> memref<100000x64xf32, #tpu.memory_space<hbm>>
    tpu.wait_indirect_dma semaphore(%arg7 : memref<!tpu.dma_semaphore, #tpu.memory_space<semaphore_mem>>) src(%dma_wait3A_6 : memref<100000x64xf32, #tpu.memory_space<hbm>>) dst(%arg6 : memref<32x64xf32, #tpu.memory_space<vmem>>)
    "tpu.region"() ({
      %run_scoped3A = tpu.sem_alloc : memref<!tpu.dma_semaphore, #tpu.memory_space<semaphore_mem>>
      %dma_start3A_7 = arith.constant 0 : i32
      %dma_start3A_8 = tpu.memref_slice %arg4[%mul3A_2, %dma_start3A_7] : memref<1024x64xf32, #tpu.memory_space<hbm>> -> memref<32x64xf32, #tpu.memory_space<hbm>>
      %dma_start3A_9 = arith.constant 0 : i32
      %dma_start3A_10 = tpu.memref_slice %arg4[%mul3A_2, %dma_start3A_9] : memref<1024x64xf32, #tpu.memory_space<hbm>> -> memref<32x64xf32, #tpu.memory_space<hbm>>
      tpu.enqueue_dma source(%arg6 : memref<32x64xf32, #tpu.memory_space<vmem>>) target(%dma_start3A_10 : memref<32x64xf32, #tpu.memory_space<hbm>>) target_semaphore(%run_scoped3A : memref<!tpu.dma_semaphore, #tpu.memory_space<semaphore_mem>>)
      %dma_wait3A_11 = arith.constant 0 : i32
      %dma_wait3A_12 = tpu.memref_slice %arg4[%mul3A_2, %dma_wait3A_11] : memref<1024x64xf32, #tpu.memory_space<hbm>> -> memref<32x64xf32, #tpu.memory_space<hbm>>
      %dma_wait3A_13 = arith.constant 0 : i32
      %dma_wait3A_14 = tpu.memref_slice %arg4[%mul3A_2, %dma_wait3A_13] : memref<1024x64xf32, #tpu.memory_space<hbm>> -> memref<32x64xf32, #tpu.memory_space<hbm>>
      tpu.wait_dma2 semaphore(%run_scoped3A : memref<!tpu.dma_semaphore, #tpu.memory_space<semaphore_mem>>) src(%arg6 : memref<32x64xf32, #tpu.memory_space<vmem>>) dst(%dma_wait3A_14 : memref<32x64xf32, #tpu.memory_space<hbm>>)
      tpu.yield
    }) : () -> ()
    return
  }
}

module attributes {stable_mosaic.version = 14 : i64} {
  func.func @_mm_body(%arg0: i32, %arg1: memref<1024x64xf32, #tpu.memory_space<any>>, %arg2: memref<64x100000xf32, #tpu.memory_space<any>>, %arg3: memref<1x100000xf32, #tpu.memory_space<any>>, %arg4: memref<1024x100000xf32, #tpu.memory_space<any>>, %arg5: memref<4x1024x2048xf32, #tpu.memory_space<vmem>>, %arg6: memref<1024x1696xf32, #tpu.memory_space<vmem>>, %arg7: memref<1024x64xf32, #tpu.memory_space<vmem>>, %arg8: memref<2x64x2048xf32, #tpu.memory_space<vmem>>, %arg9: memref<64x1696xf32, #tpu.memory_space<vmem>>, %arg10: memref<1x100000xf32, #tpu.memory_space<vmem>>, %arg11: memref<4x!tpu.dma_semaphore, #tpu.memory_space<semaphore_mem>>, %arg12: memref<!tpu.dma_semaphore, #tpu.memory_space<semaphore_mem>>, %arg13: memref<!tpu.dma_semaphore, #tpu.memory_space<semaphore_mem>>, %arg14: memref<2x!tpu.dma_semaphore, #tpu.memory_space<semaphore_mem>>, %arg15: memref<!tpu.dma_semaphore, #tpu.memory_space<semaphore_mem>>) attributes {dimension_semantics = [#tpu.dimension_semantics<arbitrary>], iteration_bounds = array<i64: 49>, scalar_prefetch = 0 : i64, scratch_operands = 11 : i64, tpu.core_type = #tpu.core_type<tc>, window_params = [{}, {}, {}, {}]} {
    %rem3A = arith.constant 4 : i32
    %rem3A_0 = arith.remsi %arg0, %rem3A : i32
    %rem3A_1 = arith.constant 2 : i32
    %rem3A_2 = arith.remsi %arg0, %rem3A_1 : i32
    %eq3A = arith.constant 0 : i32
    %eq3A_3 = arith.cmpi eq, %arg0, %eq3A : i32
    %convert_element_type3A = arith.extui %eq3A_3 : i1 to i32
    %cond3A = arith.constant 0 : i32
    %cond3A_4 = arith.cmpi ne, %convert_element_type3A, %cond3A : i32
    scf.if %cond3A_4 {
      tpu.enqueue_dma source(%arg1 : memref<1024x64xf32, #tpu.memory_space<any>>) target(%arg7 : memref<1024x64xf32, #tpu.memory_space<vmem>>) target_semaphore(%arg13 : memref<!tpu.dma_semaphore, #tpu.memory_space<semaphore_mem>>)
      tpu.enqueue_dma source(%arg3 : memref<1x100000xf32, #tpu.memory_space<any>>) target(%arg10 : memref<1x100000xf32, #tpu.memory_space<vmem>>) target_semaphore(%arg15 : memref<!tpu.dma_semaphore, #tpu.memory_space<semaphore_mem>>)
      %dma_start3A = arith.constant 0 : i32
      %dma_start3A_73 = arith.constant 0 : i32
      %dma_start3A_74 = tpu.memref_slice %arg14[%dma_start3A_73] : memref<2x!tpu.dma_semaphore, #tpu.memory_space<semaphore_mem>> -> memref<1x!tpu.dma_semaphore, #tpu.memory_space<semaphore_mem>>
      %dma_start3A_75 = tpu.memref_squeeze %dma_start3A_74 : memref<1x!tpu.dma_semaphore, #tpu.memory_space<semaphore_mem>> -> memref<!tpu.dma_semaphore, #tpu.memory_space<semaphore_mem>>
      %dma_start3A_76 = arith.constant 0 : i32
      %dma_start3A_77 = arith.constant 0 : i32
      %dma_start3A_78 = tpu.memref_slice %arg8[%dma_start3A, %dma_start3A_76, %dma_start3A_77] : memref<2x64x2048xf32, #tpu.memory_space<vmem>> -> memref<1x64x2048xf32, #tpu.memory_space<vmem>>
      %dma_start3A_79 = tpu.memref_squeeze %dma_start3A_78 : memref<1x64x2048xf32, #tpu.memory_space<vmem>> -> memref<64x2048xf32, #tpu.memory_space<vmem>>
      %dma_start3A_80 = arith.constant 0 : i32
      %dma_start3A_81 = arith.constant 0 : i32
      %dma_start3A_82 = tpu.memref_slice %arg2[%dma_start3A_80, %dma_start3A_81] : memref<64x100000xf32, #tpu.memory_space<any>> -> memref<64x2048xf32, #tpu.memory_space<any>>
      tpu.enqueue_dma source(%dma_start3A_82 : memref<64x2048xf32, #tpu.memory_space<any>>) target(%dma_start3A_79 : memref<64x2048xf32, #tpu.memory_space<vmem>>) target_semaphore(%dma_start3A_75 : memref<!tpu.dma_semaphore, #tpu.memory_space<semaphore_mem>>) {priority = 1 : i32}
      tpu.wait_dma2 semaphore(%arg13 : memref<!tpu.dma_semaphore, #tpu.memory_space<semaphore_mem>>) src(%arg1 : memref<1024x64xf32, #tpu.memory_space<any>>) dst(%arg7 : memref<1024x64xf32, #tpu.memory_space<vmem>>)
      tpu.wait_dma2 semaphore(%arg15 : memref<!tpu.dma_semaphore, #tpu.memory_space<semaphore_mem>>) src(%arg3 : memref<1x100000xf32, #tpu.memory_space<any>>) dst(%arg10 : memref<1x100000xf32, #tpu.memory_space<vmem>>)
    } else {
    }
    %lt3A = arith.constant 47 : i32
    %lt3A_5 = arith.cmpi slt, %arg0, %lt3A : i32
    %convert_element_type3A_6 = arith.extui %lt3A_5 : i1 to i32
    %cond3A_7 = arith.constant 0 : i32
    %cond3A_8 = arith.cmpi ne, %convert_element_type3A_6, %cond3A_7 : i32
    scf.if %cond3A_8 {
      %add3A_73 = arith.constant 1 : i32
      %add3A_74 = arith.addi %arg0, %add3A_73 : i32
      %mul3A_75 = arith.constant 2048 : i32
      %mul3A_76 = arith.muli %add3A_74, %mul3A_75 : i32
      %add3A_77 = arith.constant 1 : i32
      %add3A_78 = arith.addi %arg0, %add3A_77 : i32
      %rem3A_79 = arith.constant 2 : i32
      %rem3A_80 = arith.remsi %add3A_78, %rem3A_79 : i32
      %add3A_81 = arith.constant 1 : i32
      %add3A_82 = arith.addi %arg0, %add3A_81 : i32
      %rem3A_83 = arith.constant 2 : i32
      %rem3A_84 = arith.remsi %add3A_82, %rem3A_83 : i32
      %dma_start3A = tpu.memref_slice %arg14[%rem3A_84] : memref<2x!tpu.dma_semaphore, #tpu.memory_space<semaphore_mem>> -> memref<1x!tpu.dma_semaphore, #tpu.memory_space<semaphore_mem>>
      %dma_start3A_85 = tpu.memref_squeeze %dma_start3A : memref<1x!tpu.dma_semaphore, #tpu.memory_space<semaphore_mem>> -> memref<!tpu.dma_semaphore, #tpu.memory_space<semaphore_mem>>
      %dma_start3A_86 = arith.constant 0 : i32
      %dma_start3A_87 = arith.constant 0 : i32
      %dma_start3A_88 = tpu.memref_slice %arg8[%rem3A_80, %dma_start3A_86, %dma_start3A_87] : memref<2x64x2048xf32, #tpu.memory_space<vmem>> -> memref<1x64x2048xf32, #tpu.memory_space<vmem>>
      %dma_start3A_89 = tpu.memref_squeeze %dma_start3A_88 : memref<1x64x2048xf32, #tpu.memory_space<vmem>> -> memref<64x2048xf32, #tpu.memory_space<vmem>>
      %dma_start3A_90 = arith.constant 0 : i32
      %dma_start3A_91 = tpu.memref_slice %arg2[%dma_start3A_90, %mul3A_76] : memref<64x100000xf32, #tpu.memory_space<any>> -> memref<64x2048xf32, #tpu.memory_space<any>>
      tpu.enqueue_dma source(%dma_start3A_91 : memref<64x2048xf32, #tpu.memory_space<any>>) target(%dma_start3A_89 : memref<64x2048xf32, #tpu.memory_space<vmem>>) target_semaphore(%dma_start3A_85 : memref<!tpu.dma_semaphore, #tpu.memory_space<semaphore_mem>>) {priority = 1 : i32}
    } else {
    }
    %eq3A_9 = arith.constant 47 : i32
    %eq3A_10 = arith.cmpi eq, %arg0, %eq3A_9 : i32
    %convert_element_type3A_11 = arith.extui %eq3A_10 : i1 to i32
    %cond3A_12 = arith.constant 0 : i32
    %cond3A_13 = arith.cmpi ne, %convert_element_type3A_11, %cond3A_12 : i32
    scf.if %cond3A_13 {
      %rem3A_73 = arith.constant 48 : i32
      %rem3A_74 = arith.constant 2 : i32
      %rem3A_75 = arith.remsi %rem3A_73, %rem3A_74 : i32
      %dma_start3A = tpu.memref_slice %arg14[%rem3A_75] : memref<2x!tpu.dma_semaphore, #tpu.memory_space<semaphore_mem>> -> memref<1x!tpu.dma_semaphore, #tpu.memory_space<semaphore_mem>>
      %dma_start3A_76 = tpu.memref_squeeze %dma_start3A : memref<1x!tpu.dma_semaphore, #tpu.memory_space<semaphore_mem>> -> memref<!tpu.dma_semaphore, #tpu.memory_space<semaphore_mem>>
      %dma_start3A_77 = arith.constant 0 : i32
      %dma_start3A_78 = arith.constant 98304 : i32
      %dma_start3A_79 = tpu.memref_slice %arg2[%dma_start3A_77, %dma_start3A_78] : memref<64x100000xf32, #tpu.memory_space<any>> -> memref<64x1696xf32, #tpu.memory_space<any>>
      tpu.enqueue_dma source(%dma_start3A_79 : memref<64x1696xf32, #tpu.memory_space<any>>) target(%arg9 : memref<64x1696xf32, #tpu.memory_space<vmem>>) target_semaphore(%dma_start3A_76 : memref<!tpu.dma_semaphore, #tpu.memory_space<semaphore_mem>>) {priority = 1 : i32}
    } else {
    }
    %lt3A_14 = arith.constant 48 : i32
    %lt3A_15 = arith.cmpi slt, %arg0, %lt3A_14 : i32
    %convert_element_type3A_16 = arith.extui %lt3A_15 : i1 to i32
    %cond3A_17 = arith.constant 0 : i32
    %cond3A_18 = arith.cmpi ne, %convert_element_type3A_16, %cond3A_17 : i32
    scf.if %cond3A_18 {
      %mul3A_73 = arith.constant 2048 : i32
      %mul3A_74 = arith.muli %arg0, %mul3A_73 : i32
      %dma_wait3A = tpu.memref_slice %arg14[%rem3A_2] : memref<2x!tpu.dma_semaphore, #tpu.memory_space<semaphore_mem>> -> memref<1x!tpu.dma_semaphore, #tpu.memory_space<semaphore_mem>>
      %dma_wait3A_75 = tpu.memref_squeeze %dma_wait3A : memref<1x!tpu.dma_semaphore, #tpu.memory_space<semaphore_mem>> -> memref<!tpu.dma_semaphore, #tpu.memory_space<semaphore_mem>>
      %dma_wait3A_76 = arith.constant 0 : i32
      %dma_wait3A_77 = arith.constant 0 : i32
      %dma_wait3A_78 = tpu.memref_slice %arg8[%rem3A_2, %dma_wait3A_76, %dma_wait3A_77] : memref<2x64x2048xf32, #tpu.memory_space<vmem>> -> memref<1x64x2048xf32, #tpu.memory_space<vmem>>
      %dma_wait3A_79 = tpu.memref_squeeze %dma_wait3A_78 : memref<1x64x2048xf32, #tpu.memory_space<vmem>> -> memref<64x2048xf32, #tpu.memory_space<vmem>>
      %dma_wait3A_80 = arith.constant 0 : i32
      %dma_wait3A_81 = tpu.memref_slice %arg2[%dma_wait3A_80, %mul3A_74] : memref<64x100000xf32, #tpu.memory_space<any>> -> memref<64x2048xf32, #tpu.memory_space<any>>
      tpu.wait_dma2 semaphore(%dma_wait3A_75 : memref<!tpu.dma_semaphore, #tpu.memory_space<semaphore_mem>>) src(%dma_wait3A_81 : memref<64x2048xf32, #tpu.memory_space<any>>) dst(%dma_wait3A_79 : memref<64x2048xf32, #tpu.memory_space<vmem>>)
    } else {
    }
    %eq3A_19 = arith.constant 48 : i32
    %eq3A_20 = arith.cmpi eq, %arg0, %eq3A_19 : i32
    %convert_element_type3A_21 = arith.extui %eq3A_20 : i1 to i32
    %cond3A_22 = arith.constant 0 : i32
    %cond3A_23 = arith.cmpi ne, %convert_element_type3A_21, %cond3A_22 : i32
    scf.if %cond3A_23 {
      %rem3A_73 = arith.constant 48 : i32
      %rem3A_74 = arith.constant 2 : i32
      %rem3A_75 = arith.remsi %rem3A_73, %rem3A_74 : i32
      %dma_wait3A = tpu.memref_slice %arg14[%rem3A_75] : memref<2x!tpu.dma_semaphore, #tpu.memory_space<semaphore_mem>> -> memref<1x!tpu.dma_semaphore, #tpu.memory_space<semaphore_mem>>
      %dma_wait3A_76 = tpu.memref_squeeze %dma_wait3A : memref<1x!tpu.dma_semaphore, #tpu.memory_space<semaphore_mem>> -> memref<!tpu.dma_semaphore, #tpu.memory_space<semaphore_mem>>
      %dma_wait3A_77 = arith.constant 0 : i32
      %dma_wait3A_78 = arith.constant 98304 : i32
      %dma_wait3A_79 = tpu.memref_slice %arg2[%dma_wait3A_77, %dma_wait3A_78] : memref<64x100000xf32, #tpu.memory_space<any>> -> memref<64x1696xf32, #tpu.memory_space<any>>
      tpu.wait_dma2 semaphore(%dma_wait3A_76 : memref<!tpu.dma_semaphore, #tpu.memory_space<semaphore_mem>>) src(%dma_wait3A_79 : memref<64x1696xf32, #tpu.memory_space<any>>) dst(%arg9 : memref<64x1696xf32, #tpu.memory_space<vmem>>)
    } else {
    }
    %min3A = arith.constant 47 : i32
    %min3A_24 = arith.minsi %arg0, %min3A : i32
    %mul3A = arith.constant 2048 : i32
    %mul3A_25 = arith.muli %min3A_24, %mul3A : i32
    %get3A = arith.constant 0 : index
    %get3A_26 = arith.constant 0 : index
    %get3A_27 = vector.load %arg7[%get3A, %get3A_26] : memref<1024x64xf32, #tpu.memory_space<vmem>>, vector<1024x64xf32>
    %convert_element_type3A_28 = arith.truncf %get3A_27 : vector<1024x64xf32> to vector<1024x64xbf16>
    %get3A_29 = arith.index_cast %rem3A_2 : i32 to index
    %get3A_30 = arith.constant 0 : index
    %get3A_31 = arith.constant 0 : index
    %get3A_32 = vector.load %arg8[%get3A_29, %get3A_30, %get3A_31] : memref<2x64x2048xf32, #tpu.memory_space<vmem>>, vector<1x64x2048xf32>
    %get3A_33 = vector.shape_cast %get3A_32 : vector<1x64x2048xf32> to vector<64x2048xf32>
    %convert_element_type3A_34 = arith.truncf %get3A_33 : vector<64x2048xf32> to vector<64x2048xbf16>
    %dot_general3A = arith.constant dense<0.000000e+00> : vector<1024x2048xf32>
    %dot_general3A_35 = tpu.matmul %convert_element_type3A_28, %convert_element_type3A_34, %dot_general3A {dimension_numbers = #tpu.dot_dimension_numbers<[1], [0], [0], [1], [0, 0, 1, 1], [], []>, transpose_lhs_hint = false} : vector<1024x64xbf16>, vector<64x2048xbf16>, vector<1024x2048xf32> -> vector<1024x2048xf32>
    %get3A_36 = arith.constant 0 : index
    %get3A_37 = arith.index_cast %mul3A_25 : i32 to index
    %get3A_38 = vector.load %arg10[%get3A_36, %get3A_37] : memref<1x100000xf32, #tpu.memory_space<vmem>>, vector<1x2048xf32>
    %add3A = vector.broadcast %get3A_38 : vector<1x2048xf32> to vector<1024x2048xf32>
    %add3A_39 = arith.addf %dot_general3A_35, %add3A : vector<1024x2048xf32>
    %ge3A = arith.constant 4 : i32
    %ge3A_40 = arith.cmpi sge, %arg0, %ge3A : i32
    %convert_element_type3A_41 = arith.extui %ge3A_40 : i1 to i32
    %cond3A_42 = arith.constant 0 : i32
    %cond3A_43 = arith.cmpi ne, %convert_element_type3A_41, %cond3A_42 : i32
    scf.if %cond3A_43 {
      %sub3A = arith.constant 4 : i32
      %sub3A_73 = arith.subi %arg0, %sub3A : i32
      %mul3A_74 = arith.constant 2048 : i32
      %mul3A_75 = arith.muli %sub3A_73, %mul3A_74 : i32
      %dma_wait3A = tpu.memref_slice %arg11[%rem3A_0] : memref<4x!tpu.dma_semaphore, #tpu.memory_space<semaphore_mem>> -> memref<1x!tpu.dma_semaphore, #tpu.memory_space<semaphore_mem>>
      %dma_wait3A_76 = tpu.memref_squeeze %dma_wait3A : memref<1x!tpu.dma_semaphore, #tpu.memory_space<semaphore_mem>> -> memref<!tpu.dma_semaphore, #tpu.memory_space<semaphore_mem>>
      %dma_wait3A_77 = arith.constant 0 : i32
      %dma_wait3A_78 = tpu.memref_slice %arg4[%dma_wait3A_77, %mul3A_75] : memref<1024x100000xf32, #tpu.memory_space<any>> -> memref<1024x2048xf32, #tpu.memory_space<any>>
      %dma_wait3A_79 = arith.constant 0 : i32
      %dma_wait3A_80 = arith.constant 0 : i32
      %dma_wait3A_81 = tpu.memref_slice %arg5[%rem3A_0, %dma_wait3A_79, %dma_wait3A_80] : memref<4x1024x2048xf32, #tpu.memory_space<vmem>> -> memref<1x1024x2048xf32, #tpu.memory_space<vmem>>
      %dma_wait3A_82 = tpu.memref_squeeze %dma_wait3A_81 : memref<1x1024x2048xf32, #tpu.memory_space<vmem>> -> memref<1024x2048xf32, #tpu.memory_space<vmem>>
      tpu.wait_dma2 semaphore(%dma_wait3A_76 : memref<!tpu.dma_semaphore, #tpu.memory_space<semaphore_mem>>) src(%dma_wait3A_82 : memref<1024x2048xf32, #tpu.memory_space<vmem>>) dst(%dma_wait3A_78 : memref<1024x2048xf32, #tpu.memory_space<any>>)
    } else {
    }
    %lt3A_44 = arith.constant 48 : i32
    %lt3A_45 = arith.cmpi slt, %arg0, %lt3A_44 : i32
    %convert_element_type3A_46 = arith.extui %lt3A_45 : i1 to i32
    %cond3A_47 = arith.constant 0 : i32
    %cond3A_48 = arith.cmpi ne, %convert_element_type3A_46, %cond3A_47 : i32
    scf.if %cond3A_48 {
      %swap3A = arith.index_cast %rem3A_0 : i32 to index
      %swap3A_73 = arith.constant 0 : index
      %swap3A_74 = arith.constant 0 : index
      %swap3A_75 = vector.load %arg5[%swap3A, %swap3A_73, %swap3A_74] : memref<4x1024x2048xf32, #tpu.memory_space<vmem>>, vector<1x1024x2048xf32>
      %swap3A_76 = vector.shape_cast %swap3A_75 : vector<1x1024x2048xf32> to vector<1024x2048xf32>
      %swap3A_77 = vector.shape_cast %add3A_39 : vector<1024x2048xf32> to vector<1x1024x2048xf32>
      tpu.vector_store %arg5[%swap3A, %swap3A_73, %swap3A_74], %swap3A_77 {strides = array<i32>} : memref<4x1024x2048xf32, #tpu.memory_space<vmem>>, vector<1x1024x2048xf32>,
    } else {
    }
    %rem3A_49 = arith.constant 2 : i32
    %rem3A_50 = arith.remsi %arg0, %rem3A_49 : i32
    %eq3A_51 = arith.constant 0 : i32
    %eq3A_52 = arith.cmpi eq, %rem3A_50, %eq3A_51 : i32
    %lt3A_53 = arith.constant 48 : i32
    %lt3A_54 = arith.cmpi slt, %arg0, %lt3A_53 : i32
    %and3A = arith.andi %eq3A_52, %lt3A_54 : i1
    %convert_element_type3A_55 = arith.extui %and3A : i1 to i32
    %cond3A_56 = arith.constant 0 : i32
    %cond3A_57 = arith.cmpi ne, %convert_element_type3A_55, %cond3A_56 : i32
    scf.if %cond3A_57 {
      %mul3A_73 = arith.constant 2048 : i32
      %mul3A_74 = arith.muli %arg0, %mul3A_73 : i32
      %dma_start3A = tpu.memref_slice %arg11[%rem3A_0] : memref<4x!tpu.dma_semaphore, #tpu.memory_space<semaphore_mem>> -> memref<1x!tpu.dma_semaphore, #tpu.memory_space<semaphore_mem>>
      %dma_start3A_75 = tpu.memref_squeeze %dma_start3A : memref<1x!tpu.dma_semaphore, #tpu.memory_space<semaphore_mem>> -> memref<!tpu.dma_semaphore, #tpu.memory_space<semaphore_mem>>
      %dma_start3A_76 = arith.constant 0 : i32
      %dma_start3A_77 = tpu.memref_slice %arg4[%dma_start3A_76, %mul3A_74] : memref<1024x100000xf32, #tpu.memory_space<any>> -> memref<1024x2048xf32, #tpu.memory_space<any>>
      %dma_start3A_78 = arith.constant 0 : i32
      %dma_start3A_79 = arith.constant 0 : i32
      %dma_start3A_80 = tpu.memref_slice %arg5[%rem3A_0, %dma_start3A_78, %dma_start3A_79] : memref<4x1024x2048xf32, #tpu.memory_space<vmem>> -> memref<1x1024x2048xf32, #tpu.memory_space<vmem>>
      %dma_start3A_81 = tpu.memref_squeeze %dma_start3A_80 : memref<1x1024x2048xf32, #tpu.memory_space<vmem>> -> memref<1024x2048xf32, #tpu.memory_space<vmem>>
      tpu.enqueue_dma source(%dma_start3A_81 : memref<1024x2048xf32, #tpu.memory_space<vmem>>) target(%dma_start3A_77 : memref<1024x2048xf32, #tpu.memory_space<any>>) target_semaphore(%dma_start3A_75 : memref<!tpu.dma_semaphore, #tpu.memory_space<semaphore_mem>>)
    } else {
    }
    %rem3A_58 = arith.constant 2 : i32
    %rem3A_59 = arith.remsi %arg0, %rem3A_58 : i32
    %eq3A_60 = arith.constant 1 : i32
    %eq3A_61 = arith.cmpi eq, %rem3A_59, %eq3A_60 : i32
    %lt3A_62 = arith.constant 48 : i32
    %lt3A_63 = arith.cmpi slt, %arg0, %lt3A_62 : i32
    %and3A_64 = arith.andi %eq3A_61, %lt3A_63 : i1
    %convert_element_type3A_65 = arith.extui %and3A_64 : i1 to i32
    %cond3A_66 = arith.constant 0 : i32
    %cond3A_67 = arith.cmpi ne, %convert_element_type3A_65, %cond3A_66 : i32
    scf.if %cond3A_67 {
      %mul3A_73 = arith.constant 2048 : i32
      %mul3A_74 = arith.muli %arg0, %mul3A_73 : i32
      %dma_start3A = tpu.memref_slice %arg11[%rem3A_0] : memref<4x!tpu.dma_semaphore, #tpu.memory_space<semaphore_mem>> -> memref<1x!tpu.dma_semaphore, #tpu.memory_space<semaphore_mem>>
      %dma_start3A_75 = tpu.memref_squeeze %dma_start3A : memref<1x!tpu.dma_semaphore, #tpu.memory_space<semaphore_mem>> -> memref<!tpu.dma_semaphore, #tpu.memory_space<semaphore_mem>>
      %dma_start3A_76 = arith.constant 0 : i32
      %dma_start3A_77 = tpu.memref_slice %arg4[%dma_start3A_76, %mul3A_74] : memref<1024x100000xf32, #tpu.memory_space<any>> -> memref<1024x2048xf32, #tpu.memory_space<any>>
      %dma_start3A_78 = arith.constant 0 : i32
      %dma_start3A_79 = arith.constant 0 : i32
      %dma_start3A_80 = tpu.memref_slice %arg5[%rem3A_0, %dma_start3A_78, %dma_start3A_79] : memref<4x1024x2048xf32, #tpu.memory_space<vmem>> -> memref<1x1024x2048xf32, #tpu.memory_space<vmem>>
      %dma_start3A_81 = tpu.memref_squeeze %dma_start3A_80 : memref<1x1024x2048xf32, #tpu.memory_space<vmem>> -> memref<1024x2048xf32, #tpu.memory_space<vmem>>
      tpu.enqueue_dma source(%dma_start3A_81 : memref<1024x2048xf32, #tpu.memory_space<vmem>>) target(%dma_start3A_77 : memref<1024x2048xf32, #tpu.memory_space<any>>) target_semaphore(%dma_start3A_75 : memref<!tpu.dma_semaphore, #tpu.memory_space<semaphore_mem>>) {priority = 1 : i32}
    } else {
    }
    %eq3A_68 = arith.constant 48 : i32
    %eq3A_69 = arith.cmpi eq, %arg0, %eq3A_68 : i32
    %convert_element_type3A_70 = arith.extui %eq3A_69 : i1 to i32
    %cond3A_71 = arith.constant 0 : i32
    %cond3A_72 = arith.cmpi ne, %convert_element_type3A_70, %cond3A_71 : i32
    scf.if %cond3A_72 {
      %get3A_73 = arith.constant 0 : index
      %get3A_74 = arith.constant 0 : index
      %get3A_75 = vector.load %arg7[%get3A_73, %get3A_74] : memref<1024x64xf32, #tpu.memory_space<vmem>>, vector<1024x64xf32>
      %convert_element_type3A_76 = arith.truncf %get3A_75 : vector<1024x64xf32> to vector<1024x64xbf16>
      %get3A_77 = arith.constant 0 : index
      %get3A_78 = arith.constant 0 : index
      %get3A_79 = vector.load %arg9[%get3A_77, %get3A_78] : memref<64x1696xf32, #tpu.memory_space<vmem>>, vector<64x1696xf32>
      %convert_element_type3A_80 = arith.truncf %get3A_79 : vector<64x1696xf32> to vector<64x1696xbf16>
      %dot_general3A_81 = arith.constant dense<0.000000e+00> : vector<1024x1696xf32>
      %dot_general3A_82 = tpu.matmul %convert_element_type3A_76, %convert_element_type3A_80, %dot_general3A_81 {dimension_numbers = #tpu.dot_dimension_numbers<[1], [0], [0], [1], [0, 0, 1, 1], [], []>, transpose_lhs_hint = false} : vector<1024x64xbf16>, vector<64x1696xbf16>, vector<1024x1696xf32> -> vector<1024x1696xf32>
      %get3A_83 = arith.constant 0 : index
      %get3A_84 = arith.constant 98304 : index
      %get3A_85 = vector.load %arg10[%get3A_83, %get3A_84] : memref<1x100000xf32, #tpu.memory_space<vmem>>, vector<1x1696xf32>
      %add3A_86 = vector.broadcast %get3A_85 : vector<1x1696xf32> to vector<1024x1696xf32>
      %add3A_87 = arith.addf %dot_general3A_82, %add3A_86 : vector<1024x1696xf32>
      %swap3A = arith.constant 0 : index
      %swap3A_88 = arith.constant 0 : index
      %swap3A_89 = vector.load %arg6[%swap3A, %swap3A_88] : memref<1024x1696xf32, #tpu.memory_space<vmem>>, vector<1024x1696xf32>
      tpu.vector_store %arg6[%swap3A, %swap3A_88], %add3A_87 {strides = array<i32>} : memref<1024x1696xf32, #tpu.memory_space<vmem>>, vector<1024x1696xf32>,
      %dma_start3A = arith.constant 0 : i32
      %dma_start3A_90 = arith.constant 98304 : i32
      %dma_start3A_91 = tpu.memref_slice %arg4[%dma_start3A, %dma_start3A_90] : memref<1024x100000xf32, #tpu.memory_space<any>> -> memref<1024x1696xf32, #tpu.memory_space<any>>
      tpu.enqueue_dma source(%arg6 : memref<1024x1696xf32, #tpu.memory_space<vmem>>) target(%dma_start3A_91 : memref<1024x1696xf32, #tpu.memory_space<any>>) target_semaphore(%arg12 : memref<!tpu.dma_semaphore, #tpu.memory_space<semaphore_mem>>) {priority = 1 : i32}
      %dma_wait3A = arith.constant 1 : i32
      %dma_wait3A_92 = arith.constant 1 : i32
      %dma_wait3A_93 = tpu.memref_slice %arg11[%dma_wait3A_92] : memref<4x!tpu.dma_semaphore, #tpu.memory_space<semaphore_mem>> -> memref<1x!tpu.dma_semaphore, #tpu.memory_space<semaphore_mem>>
      %dma_wait3A_94 = tpu.memref_squeeze %dma_wait3A_93 : memref<1x!tpu.dma_semaphore, #tpu.memory_space<semaphore_mem>> -> memref<!tpu.dma_semaphore, #tpu.memory_space<semaphore_mem>>
      %dma_wait3A_95 = arith.constant 0 : i32
      %dma_wait3A_96 = arith.constant 92160 : i32
      %dma_wait3A_97 = tpu.memref_slice %arg4[%dma_wait3A_95, %dma_wait3A_96] : memref<1024x100000xf32, #tpu.memory_space<any>> -> memref<1024x2048xf32, #tpu.memory_space<any>>
      %dma_wait3A_98 = arith.constant 0 : i32
      %dma_wait3A_99 = arith.constant 0 : i32
      %dma_wait3A_100 = tpu.memref_slice %arg5[%dma_wait3A, %dma_wait3A_98, %dma_wait3A_99] : memref<4x1024x2048xf32, #tpu.memory_space<vmem>> -> memref<1x1024x2048xf32, #tpu.memory_space<vmem>>
      %dma_wait3A_101 = tpu.memref_squeeze %dma_wait3A_100 : memref<1x1024x2048xf32, #tpu.memory_space<vmem>> -> memref<1024x2048xf32, #tpu.memory_space<vmem>>
      tpu.wait_dma2 semaphore(%dma_wait3A_94 : memref<!tpu.dma_semaphore, #tpu.memory_space<semaphore_mem>>) src(%dma_wait3A_101 : memref<1024x2048xf32, #tpu.memory_space<vmem>>) dst(%dma_wait3A_97 : memref<1024x2048xf32, #tpu.memory_space<any>>)
      %dma_wait3A_102 = arith.constant 2 : i32
      %dma_wait3A_103 = arith.constant 2 : i32
      %dma_wait3A_104 = tpu.memref_slice %arg11[%dma_wait3A_103] : memref<4x!tpu.dma_semaphore, #tpu.memory_space<semaphore_mem>> -> memref<1x!tpu.dma_semaphore, #tpu.memory_space<semaphore_mem>>
      %dma_wait3A_105 = tpu.memref_squeeze %dma_wait3A_104 : memref<1x!tpu.dma_semaphore, #tpu.memory_space<semaphore_mem>> -> memref<!tpu.dma_semaphore, #tpu.memory_space<semaphore_mem>>
      %dma_wait3A_106 = arith.constant 0 : i32
      %dma_wait3A_107 = arith.constant 94208 : i32
      %dma_wait3A_108 = tpu.memref_slice %arg4[%dma_wait3A_106, %dma_wait3A_107] : memref<1024x100000xf32, #tpu.memory_space<any>> -> memref<1024x2048xf32, #tpu.memory_space<any>>
      %dma_wait3A_109 = arith.constant 0 : i32
      %dma_wait3A_110 = arith.constant 0 : i32
      %dma_wait3A_111 = tpu.memref_slice %arg5[%dma_wait3A_102, %dma_wait3A_109, %dma_wait3A_110] : memref<4x1024x2048xf32, #tpu.memory_space<vmem>> -> memref<1x1024x2048xf32, #tpu.memory_space<vmem>>
      %dma_wait3A_112 = tpu.memref_squeeze %dma_wait3A_111 : memref<1x1024x2048xf32, #tpu.memory_space<vmem>> -> memref<1024x2048xf32, #tpu.memory_space<vmem>>
      tpu.wait_dma2 semaphore(%dma_wait3A_105 : memref<!tpu.dma_semaphore, #tpu.memory_space<semaphore_mem>>) src(%dma_wait3A_112 : memref<1024x2048xf32, #tpu.memory_space<vmem>>) dst(%dma_wait3A_108 : memref<1024x2048xf32, #tpu.memory_space<any>>)
      %dma_wait3A_113 = arith.constant 3 : i32
      %dma_wait3A_114 = arith.constant 3 : i32
      %dma_wait3A_115 = tpu.memref_slice %arg11[%dma_wait3A_114] : memref<4x!tpu.dma_semaphore, #tpu.memory_space<semaphore_mem>> -> memref<1x!tpu.dma_semaphore, #tpu.memory_space<semaphore_mem>>
      %dma_wait3A_116 = tpu.memref_squeeze %dma_wait3A_115 : memref<1x!tpu.dma_semaphore, #tpu.memory_space<semaphore_mem>> -> memref<!tpu.dma_semaphore, #tpu.memory_space<semaphore_mem>>
      %dma_wait3A_117 = arith.constant 0 : i32
      %dma_wait3A_118 = arith.constant 96256 : i32
      %dma_wait3A_119 = tpu.memref_slice %arg4[%dma_wait3A_117, %dma_wait3A_118] : memref<1024x100000xf32, #tpu.memory_space<any>> -> memref<1024x2048xf32, #tpu.memory_space<any>>
      %dma_wait3A_120 = arith.constant 0 : i32
      %dma_wait3A_121 = arith.constant 0 : i32
      %dma_wait3A_122 = tpu.memref_slice %arg5[%dma_wait3A_113, %dma_wait3A_120, %dma_wait3A_121] : memref<4x1024x2048xf32, #tpu.memory_space<vmem>> -> memref<1x1024x2048xf32, #tpu.memory_space<vmem>>
      %dma_wait3A_123 = tpu.memref_squeeze %dma_wait3A_122 : memref<1x1024x2048xf32, #tpu.memory_space<vmem>> -> memref<1024x2048xf32, #tpu.memory_space<vmem>>
      tpu.wait_dma2 semaphore(%dma_wait3A_116 : memref<!tpu.dma_semaphore, #tpu.memory_space<semaphore_mem>>) src(%dma_wait3A_123 : memref<1024x2048xf32, #tpu.memory_space<vmem>>) dst(%dma_wait3A_119 : memref<1024x2048xf32, #tpu.memory_space<any>>)
      %dma_wait3A_124 = arith.constant 0 : i32
      %dma_wait3A_125 = arith.constant 98304 : i32
      %dma_wait3A_126 = tpu.memref_slice %arg4[%dma_wait3A_124, %dma_wait3A_125] : memref<1024x100000xf32, #tpu.memory_space<any>> -> memref<1024x1696xf32, #tpu.memory_space<any>>
      tpu.wait_dma2 semaphore(%arg12 : memref<!tpu.dma_semaphore, #tpu.memory_space<semaphore_mem>>) src(%arg6 : memref<1024x1696xf32, #tpu.memory_space<vmem>>) dst(%dma_wait3A_126 : memref<1024x1696xf32, #tpu.memory_space<any>>)
    } else {
    }
    return
  }
}

</mosaic_0001>

<sc_bundles>
// kernel: kernel.4.cloned.1.call-start
scs
__scs_entry_jumppad:
0x0: {  	(pc) =	sbr.rel $0x88, $3  }
0x1: {  	(tag) =	ssettag $0x0;
	lr =	simm.s32 $0x1  }
0x2: {  	[smem:$0x3F9D] =	sst lr;
	_ =	strace $0xD0000000  }
0x3: {  	_ = 	snop  }
0x4: {  	_ = 	snop  }
0x5: {  	_ = 	snop  }
0x6: {  	_ = 	snop  }
0x7: {  	_ = 	snop  }
__scs_overlays_trampoline_lowered:
0x8: {  	[smem:$0x3FAC] =	sst s0  }
0x9: {  	[smem:$0x3FAD] =	sst s1  }
0xa: {  	[smem:$0x3FAE] =	sst s2  }
0xb: {  	[smem:$0x3FAF] =	sst s3  }
0xc: {  	[smem:$0x3FB0] =	sst s4  }
0xd: {  	[smem:$0x3FB1] =	sst s5  }
0xe: {  	[smem:$0x3FB2] =	sst s6  }
0xf: {  	[smem:$0x3FB3] =	sst s7  }
0x10: {  	[smem:$0x3FB4] =	sst s8  }
0x11: {  	[smem:$0x3FB5] =	sst s9;
	s0 =	simm.s32 @!p0 $0x0  }
0x12: {  	s1 =	sld [smem:$0x3F9B];
	s0 =	simm.s32 @p0 $0x1  }
0x13: {  	[smem:$0x3FB6] =	sst s0;
	s0 =	simm.s32 @!p1 $0x0  }
0x14: {  	s2 =	sld [smem:$0x3F9A];
	s0 =	simm.s32 @p1 $0x1  }
0x15: {  	[smem:$0x3FB7] =	sst s0;
	s0 =	simm.s32 @!p2 $0x0  }
0x16: {  	s3 =	sld [smem:$0x3FDB];
	s0 =	simm.s32 @p2 $0x1  }
0x17: {  	s4 =	simm.s32 $0x1BF5;
	[smem:$0x3FB9] =	sst s0  }
0x18: {  	s0 =	sld [smem:$0x3F9C];
	_ =	swait.ge [sflag:s4], $0x0  }
0x19: {  	s7 =	sld [smem:$0x3F9D]  }
0x1a: {  	s8 =	sadd.s32 $0xFFFFE003, lr  }
0x1b: {  	s9 =	sadd.s32 $0xFFFFFEF7, lr;
	s5 =	simm.s32 $0xFFFFFFFF;
	p2 =	slt.u32 s8, $0xFFFFF086  }
0x1c: {  	p1 =	slt.u32 s9, $0xF7A;
	s5 =	simm.s32 @!p2 $0x0  }
0x1d: {  	s5 =	simm.s32 @p1 $0x1;
	p0 =	seq.s32 s7, s2  }
0x1e: {  	s7 =	smul.u32 @!p0 $0xF7A, s2;
	p2 =	seq.s32 @!p0 s5, $0x0  }
0x1f: {  	s9 =	smul.u32 $0xF7A, s1;
	s8 =	simm.s32 @!p0 $0x1BF5;
	p2 =	por !p2, p0  }
0x20: {  	[sflag:s8] =	ssyncset.s32 @!p0 $0xFFFFF086;
	s6 =	sadd.s32 @!p0 s3, s7;
	s7 =	simm.s32 @!p0 $0x108  }
0x21: {  	s3 =	sadd.s32 s3, s9;
	s6 =	sadd.s32 @!p0 $0x88, s6;
	s7 =	simm.s32 @p2 $0x1082  }
0x22: {  	[simem:s7], [sflag:s8] =	dma.local @!p0 [hbm:s6], $0xF7A  }
0x23: {  	s9 =	sor.u32 $0xD0000000, s2;
	s6 =	simm.s32 $0x108;
	_ =	swait.ge @!p0 [sflag:s8], $0x0  }
0x24: {  	s3 =	sadd.s32 $0x88, s3;
	s6 =	simm.s32 @!p1 $0x1082;
	[sflag:s4] =	ssyncset.s32 $0xFFFFF086  }
0x25: {  	[simem:s6], [sflag:s4] =	dma.local [hbm:s3], $0xF7A  }
0x26: {  	[smem:$0x3F9D] =	sst s1;
	(tag) =	ssettag s2;
	_ =	strace s9  }
0x27: {  	s1 =	sld [smem:$0x3FAD]  }
0x28: {  	s2 =	sld [smem:$0x3FAE]  }
0x29: {  	s4 =	sld [smem:$0x3FB0]  }
0x2a: {  	p0 =	seq.s32 s5, $0x0;
	s5 =	sld [smem:$0x3FB1]  }
0x2b: {  	s6 =	sld [smem:$0x3FB2]  }
0x2c: {  	s7 =	sld [smem:$0x3FB3]  }
0x2d: {  	s3 =	simm.s32 $0x108;
	s8 =	sld [smem:$0x3FB4]  }
0x2e: {  	s3 =	simm.s32 @!p0 $0x1082;
	s9 =	sld [smem:$0x3FB5]  }
0x2f: {  	lr =	sadd.s32 s0, s3;
	s0 =	sld [smem:$0x3FAC]  }
0x30: {  	s3 =	sld [smem:$0x3FAF]  }
0x31: {  	[smem:$0x3FB8] =	sst s10  }
0x32: {  	s10 =	sld [smem:$0x3FB6];
	_ =	sdelay $0x3  }
0x33: {  	p0 =	seq.s32 s10, $0x1;
	s10 =	sld [smem:$0x3FB8];
	_ =	sdelay $0x3  }
0x34: {  	[smem:$0x3FB8] =	sst s10  }
0x35: {  	s10 =	sld [smem:$0x3FB7];
	_ =	sdelay $0x3  }
0x36: {  	p1 =	seq.s32 s10, $0x1;
	s10 =	sld [smem:$0x3FB8];
	_ =	sdelay $0x3  }
0x37: {  	[smem:$0x3FB8] =	sst s10  }
0x38: {  	s10 =	sld [smem:$0x3FB9]  }
0x39: {  	_ = 	snop;
	(pc) =	sbr.ind lr, $3  }
0x3a: {  	_ = 	snop  }
0x3b: {  	_ = 	snop  }
0x3c: {  	p2 =	seq.s32 s10, $0x1;
	s10 =	sld [smem:$0x3FB8]  }
0x3d: {  	_ =	shalt  }
0x3e: {  	_ =	shalt  }
0x3f: {  	_ =	shalt  }
0x40: {  	_ =	shalt  }
0x41: {  	_ =	shalt  }
0x42: {  	_ =	shalt  }
0x43: {  	_ =	shalt  }
0x44: {  	_ =	shalt  }
0x45: {  	_ =	shalt  }
0x46: {  	_ =	shalt  }
0x47: {  	_ =	shalt  }
0x48: {  	_ =	shalt  }
0x49: {  	_ =	shalt  }
0x4a: {  	_ =	shalt  }
0x4b: {  	_ =	shalt  }
0x4c: {  	_ =	shalt  }
0x4d: {  	_ =	shalt  }
0x4e: {  	_ =	shalt  }
0x4f: {  	_ =	shalt  }
0x50: {  	_ =	shalt  }
0x51: {  	_ =	shalt  }
0x52: {  	_ =	shalt  }
0x53: {  	_ =	shalt  }
0x54: {  	_ =	shalt  }
0x55: {  	_ =	shalt  }
0x56: {  	_ =	shalt  }
0x57: {  	_ =	shalt  }
0x58: {  	_ =	shalt  }
0x59: {  	_ =	shalt  }
0x5a: {  	_ =	shalt  }
0x5b: {  	_ =	shalt  }
0x5c: {  	_ =	shalt  }
0x5d: {  	_ =	shalt  }
0x5e: {  	_ =	shalt  }
0x5f: {  	_ =	shalt  }
0x60: {  	_ =	shalt  }
0x61: {  	_ =	shalt  }
0x62: {  	_ =	shalt  }
0x63: {  	_ =	shalt  }
0x64: {  	_ =	shalt  }
0x65: {  	_ =	shalt  }
0x66: {  	_ =	shalt  }
0x67: {  	_ =	shalt  }
0x68: {  	_ =	shalt  }
0x69: {  	_ =	shalt  }
0x6a: {  	_ =	shalt  }
0x6b: {  	_ =	shalt  }
0x6c: {  	_ =	shalt  }
0x6d: {  	_ =	shalt  }
0x6e: {  	_ =	shalt  }
0x6f: {  	_ =	shalt  }
0x70: {  	_ =	shalt  }
0x71: {  	_ =	shalt  }
0x72: {  	_ =	shalt  }
0x73: {  	_ =	shalt  }
0x74: {  	_ =	shalt  }
0x75: {  	_ =	shalt  }
0x76: {  	_ =	shalt  }
0x77: {  	_ =	shalt  }
0x78: {  	_ =	shalt  }
0x79: {  	_ =	shalt  }
0x7a: {  	_ =	shalt  }
0x7b: {  	_ =	shalt  }
0x7c: {  	_ =	shalt  }
0x7d: {  	_ =	shalt  }
0x7e: {  	_ =	shalt  }
0x7f: {  	_ =	shalt  }
0x80: {  	_ =	shalt  }
0x81: {  	_ =	shalt  }
0x82: {  	_ =	shalt  }
0x83: {  	_ =	shalt  }
0x84: {  	_ =	shalt  }
0x85: {  	_ =	shalt  }
0x86: {  	_ =	shalt  }
0x87: {  	_ =	shalt  }
.Lfunc_end0:
.L_simem_size_0:
called_computation_lowered:
.L_overlay_start_0:
0x88: {  	s2 =	sld [smem:$0x3FD9]  }
0x89: {  	s3 =	sld [smem:$0x3FFE];
	_ =	sdelay $0x1  }
0x8a: {  	s1 =	srdreg.scid  }
0x8b: {  	s0 =	sand.u32 $0x1, s1  }
0x8c: {  	s17 =	sshll.u32 s0, $0xA;
	s2 =	sadd.s32 s3, s2  }
0x8d: {  	s2 =	sadd.s32 s2, s17  }
0x8e: {  	[smem:$0x3FC4] =	sst s2  }
0x8f: {  	_ = 	snop  }
0x90: {  	s2 =	sld [smem:$0x3FC9];
	(tm) =	ssettm $0x1  }
0x91: {  	s18 =	sld [smem:$0x3FFB];
	_ =	sdelay $0x3  }
0x92: {  	_ =	strace s18  }
0x93: {  	s3 =	sld [smem:$0x3FFC];
	_ =	sdelay $0x3  }
0x94: {  	_ =	strace s3  }
0x95: {  	s3 =	sld [smem:$0x3FFD];
	_ =	sdelay $0x3  }
0x96: {  	_ =	strace s3  }
0x97: {  	_ =	strace $0x8FFFFFFF  }
0x98: {  	s19 =	sld [smem:$0x3FDB];
	_ =	sdelay $0x1  }
0x99: {  	s4 =	simm.s32 $_scs_section_size  }
0x9a: {  	s5 =	simm.s32 $_size__tile_overlayer_lowered;
	s6 =	simm.s32 $_tile_overlayer_lowered  }
0x9b: {  	s22 =	simm.s32 $0x1BFF;
	s21 =	sshll.u32 s6, $0x1;
	s3 =	sadd.s32 s4, s19  }
0x9c: {  	s7 =	simm.s32 $0x0;
	s20 =	sshll.u32 s5, $0x1;
	s5 =	sadd.s32 s21, s3  }
0x9d: {  	[timem:s7], [sflag:s22] =	dma.local [hbm:s5], s20  }
0x9e: {  	_ =	swait.ge [sflag:s22], s20  }
0x9f: {  	s4 =	ssub.s32 $0x0, s20;
	[sflag:s22] =	ssyncset.done $0x0  }
0xa0: {  	[sflag:s22] =	ssyncadd.s32 s4;
	_ =	sdelay $0x1  }
0xa1: {  	s23 =	simm.s32 $0x1B8B  }
0xa2: {  	_ =	swait.ge [sflag:s23], $0x1  }
0xa3: {  	[sflag:s23] =	ssyncset.done $0x0  }
0xa4: {  	s25 =	simm.s32 $0x1B8E;
	s24 =	sld [smem:$0x3FFE];
	[sflag:s23] =	ssyncadd.s32 $0xFFFFFFFF  }
0xa5: {  	s26 =	simm.s32 $execute0_lowered;
	[smem:$0x3FD2] =	sst s25  }
0xa6: {  	s5 =	sshll.u32 s26, $0x1;
	_ =	strace $0x80000046;
	[dreg:$0x1] =	wrdreg $0xFFFFFFFF  }
0xa7: {  	s28 =	simm.s32 $_size_execute0_lowered;
	s3 =	sadd.s32 s3, s5;
	[dreg:$0x0] =	wrdreg $0x0  }
0xa8: {  	s5 =	sshll.u32 s28, $0x1;
	[dreg:$0x2] =	wrdreg s3  }
0xa9: {  	[dreg:$0x3] =	wrdreg s5  }
0xaa: {  	[dreg:$0x4] =	wrdreg $0xC0  }
0xab: {  	_ =	task [dreg:s7], $0x5FFFF  }
0xac: {  	[dreg:$0x1] =	wrdreg $0xFFFFFFFF  }
0xad: {  	[dreg:$0x0] =	wrdreg $0x60  }
0xae: {  	[dreg:$0x2] =	wrdreg s24  }
0xaf: {  	[dreg:$0x3] =	wrdreg s2  }
0xb0: {  	[dreg:$0x4] =	wrdreg $0x9  }
0xb1: {  	_ =	task.clear_ibuf [dreg:s7], $0x5FFFF;
	_ =	strace $0x90000046  }
0xb2: {  	s29 =	simm.s32 $0x9;
	_ =	strace $0x80000048  }
0xb3: {  	_ =	swait.ge [sflag:s29], $0x1  }
0xb4: {  	[sflag:s29] =	ssyncadd.s32 $0xFFFFFFFF  }
0xb5: {  	_ =	strace $0x90000048  }
0xb6: {  	_ =	sfence  }
0xb7: {  	s30 =	sld [smem:$0x0];
	_ =	sdelay $0x2  }
0xb8: {  	s31 =	sshll.u32 s1, $0xD;
	s1 =	sshrl.u32 s1, $0x2  }
0xb9: {  	s3 =	sand.u32 $0x4000, s31;
	s1 =	sadd.s32 s1, s30  }
0xba: {  	s0 =	sor.u32 s3, s0;
	s1 =	sshll.u32 s1, $0x11  }
0xbb: {  	s0 =	sor.u32 s1, s0  }
0xbc: {  	s0 =	sadd.s32 $0x8F2B, s0  }
0xbd: {  	[sflag:s0] =	ssyncadd.remote.s32 $0x1  }
0xbe: {  	_ =	sfence.sel $0xFFFF  }
0xbf: {  	[dreg:$0x0] =	wrdreg $0xFFFFFFFF;
	(pc) =	sbr.abs _section_cstart, $3  }
0xc0: {  	[dreg:$0x1] =	wrdreg $0xFFFFFFFF  }
0xc1: {  	_ =	task.clear_ibuf [dreg:s7], $0x2FFFF;
	_ =	strace $0x9FFFFFFF  }
0xc2: {  	(tm) =	ssettm $0x7FFFFFFF  }
0xc3: {  	_ =	shalt  }
tec
execute0_lowered:
.L_overlay_start_1:
0x0: {  	(tag) =	ssettag $0x1  }
0x1: {  	s1 =	srdreg.scid  }
0x2: {  	s8 =	rddreg [dreg:$0x0];
	s0 =	stileid.u32  }
0x3: {  	s3 =	rddreg [dreg:$0x1];
	s2 =	simm.s32 $0x0;
	s6 =	sand.u32 $0x1, s1  }
0x4: {  	s4 =	sshll.u32 s0, $0x6;
	s1 =	rddreg [dreg:$0x2];
	s5 =	sshll.u32 s6, $0x5  }
0x5: {  	s7 =	simm.s32 $0x1;
	[smem:$0x7FF] =	sst s2;
	s9 =	sor.u32 s5, s4  }
0x6: {  	_ =	strace $0x80000047;
	s10 =	ssub.s32 $0x2, s6;
	s4 =	sshrl.u32 s9, $0x3  }
0x7: {  	s6 =	simm.s32 $0x20;
	s4 =	sadd.s32 s3, s4;
	s3 =	simm.s32 $0x2  }
0x8: {  	[tilespmem:s2], [sflag:$0x2] =	stream.linear.gather [hbm4b:s4+s2], $0x20, $0x38;
	[tilespmem:$0x820] =	vst v63  }
0x9: {  	s5 =	sadd.s32 $0x600, s8;
	s11 =	sshrl.u32 s10, $0x1;
	_ =	swait.ge [sflag:s3], $0x20  }
0xa: {  	s9 =	sshll.u32 s9, $0x3;
	s31 =	ssub.s32 s10, s11;
	[sflag:s3] =	ssyncset.done $0x0  }
0xb: {  	s8 =	sadd.s32 s9, s8;
	s9 =	smax.u32 s31, $0x1;
	[sflag:s3] =	ssyncadd.s32 $0xFFFFFFE0  }
0xc: {  	[tilespmem:s6], [sflag:$0x1] =	stream.indirect.gather [hbm4b:s5+s6], $0x40, s2, s6, $0xb8;
	[tilespmem:$0x820] =	vst v63  }
0xd: {  	p0 =	sne.s32 s9, $0x1;
	_ =	swait.ge [sflag:s7], $0x800  }
.Ltmp0:
0xe: {  	[sflag:s7] =	ssyncset.done $0x0;
	(pc) =	sbr.rel @!p0 .LBB2_2-.Ltmp0, $4  }
0xf: {  	s8 =	sadd.s32 $0xC3C00, s8;
	[sflag:s7] =	ssyncadd.s32 $0xFFFFF800  }
0x10: {  	[hbm4b:s8+s2] =	stream.linear.scatter [tilespmem:s6], [sflag:$0x2], $0x800, $0x38;
	[tilespmem:$0x820] =	vst v63  }
0x11: {  	_ =	swait.ge [sflag:s3], $0x800  }
0x12: {  	s9 =	sadd.s32 $0xFFFFFFFF, s9;
	[sflag:s3] =	ssyncset.done $0x0  }
.LBB2_1:
0x13: {  	p0 =	sne.s32 s9, $0x1;
	s9 =	sadd.s32 $0xFFFFFFFF, s9;
	[sflag:s3] =	ssyncadd.s32 $0xFFFFF800  }
0x14: {  	[tilespmem:s2], [sflag:$0x2] =	stream.linear.gather [hbm4b:s4+s2], $0x20, $0x38;
	[tilespmem:$0x820] =	vst v63  }
0x15: {  	_ =	swait.ge [sflag:s3], $0x20  }
0x16: {  	[sflag:s3] =	ssyncset.done $0x0  }
0x17: {  	[sflag:s3] =	ssyncadd.s32 $0xFFFFFFE0  }
0x18: {  	[tilespmem:s6], [sflag:$0x1] =	stream.indirect.gather [hbm4b:s5+s6], $0x40, s2, s6, $0xb8;
	[tilespmem:$0x820] =	vst v63  }
0x19: {  	_ =	swait.ge [sflag:s7], $0x800  }
.Ltmp1:
0x1a: {  	[sflag:s7] =	ssyncset.done $0x0;
	(pc) =	sbr.rel @p0 .LBB2_1-.Ltmp1, $4  }
0x1b: {  	[sflag:s7] =	ssyncadd.s32 $0xFFFFF800  }
0x1c: {  	[hbm4b:s8+s2] =	stream.linear.scatter [tilespmem:s6], [sflag:$0x2], $0x800, $0x38;
	[tilespmem:$0x820] =	vst v63  }
0x1d: {  	_ =	swait.ge [sflag:s3], $0x800  }
0x1e: {  	[sflag:s3] =	ssyncset.done $0x0  }
.LBB2_2:
0x1f: {  	[sflag:s3] =	ssyncadd.s32 $0xFFFFF800  }
0x20: {  	_ =	sfence.sel $0x180000  }
0x21: {  	[bflag:$0x0] =	sbarrier.arrive $0xFFFF  }
0x22: {  	p0 =	sne.s32 s0, $0x0;
	_ =	strace $0x90000047  }
0x23: {  	s0 =	sadd.s32 @!p0 $0x100000, s1;
	[bflag:$0x2] =	sbarrier.arrive $0xFFFF  }
0x24: {  	[sflag:s0] =	ssyncadd.tile.s32 @!p0 $0x1;
	_ =	shalt  }
.Lfunc_end2:
_tile_overlayer_lowered:
.L_overlay_start_2:
0x25: {  	(tag) =	ssettag $0x2  }
0x26: {  	s0 =	rddreg [dreg:$0x0];
	s2 =	stileid.u32  }
0x27: {  	s1 =	rddreg [dreg:$0x1];
	p0 =	sne.s32 s2, $0x0  }
0x28: {  	s3 =	rddreg [dreg:$0x2];
	[bflag:$0x3] =	sbarrier.arrive $0xFFFF;
	s2 =	simm.s32 @!p0 $0x1C02  }
0x29: {  	[timem:s3], [sflag:s2] =	dma.local @!p0 [hbm:s0], s1  }
0x2a: {  	s0 =	simm.s32 @!p0 $0x2  }
0x2b: {  	_ =	swait.ge @!p0 [sflag:s0], s1  }
0x2c: {  	s1 =	ssub.s32 @!p0 $0x0, s1;
	[sflag:s0] =	ssyncset.done @!p0 $0x0  }
0x2d: {  	[sflag:s0] =	ssyncadd.s32 @!p0 s1  }
0x2e: {  	[bflag:$0x3] =	sbarrier.arrive $0xFFFF  }
0x2f: {  	_ =	shalt  }

</sc_bundles>
